<compile_context>
chip_gen: v7x
topology: tpu7x:2x2x1
jax: 0.10.2.dev20260603
libtpu: 0.0.44.dev20260713+nightly
codegen_flags: <defaults>
</compile_context>

<pallas_src>
import functools

import jax
import jax.numpy as jnp
from jax import lax
from jax.experimental import pallas as pl
from jax.experimental.pallas import tpu as pltpu
from jax.experimental.pallas import tpu_sc as plsc

K = 32
C = 128
NC = 2
NS = 16
NW = NC * NS
CP = 4
ROWS = CP * K
LANES = 16


def _pool_sc(rgbT, idx2d, n_pad):
    gpw = (n_pad * K) // (NW * ROWS)
    ppw = n_pad // NW

    mesh = plsc.VectorSubcoreMesh(
        core_axis_name="c", subcore_axis_name="s",
        num_cores=NC, num_subcores=NS)

    def _tree(op, vs):
        vs = list(vs)
        while len(vs) > 1:
            nxt = [op(vs[j], vs[j + 1]) for j in range(0, len(vs) - 1, 2)]
            if len(vs) % 2:
                nxt.append(vs[-1])
            vs = nxt
        return vs[0]

    def _pool_chunk(rows_v, pool_v, po):
        for p in range(CP):
            for cc in range(C // LANES):
                sl = pl.ds(cc * LANES, LANES)
                mxs, mns, sms = [], [], []
                for g8 in range(K // 8):
                    vs = [rows_v[p * K + g8 * 8 + t, sl] for t in range(8)]
                    mxs.append(_tree(jnp.maximum, vs))
                    mns.append(_tree(jnp.minimum, vs))
                    sms.append(_tree(lambda a, b: a + b, vs))
                pool_v[po + p, pl.ds(cc * LANES, LANES)] = _tree(jnp.maximum, mxs)
                pool_v[po + p, pl.ds(C + cc * LANES, LANES)] = (
                    _tree(lambda a, b: a + b, sms) * (1.0 / K))
                pool_v[po + p, pl.ds(2 * C + cc * LANES, LANES)] = _tree(jnp.minimum, mns)

    @functools.partial(
        pl.kernel,
        out_type=jax.ShapeDtypeStruct((n_pad, 3 * C), jnp.float32),
        mesh=mesh,
        scratch_types=[
            pltpu.VMEM((gpw, ROWS), jnp.int32),
            pltpu.VMEM((ROWS, C), jnp.float32),
            pltpu.VMEM((ROWS, C), jnp.float32),
            pltpu.VMEM((2 * CP, 3 * C), jnp.float32),
            pltpu.SemaphoreType.DMA,
            pltpu.SemaphoreType.DMA,
        ],
    )
    def k(rgbT_hbm, idx_hbm, out_hbm, idx_v, rows0, rows1, pool_v, sem0, sem1):
        cid = lax.axis_index("c")
        sid = lax.axis_index("s")
        wid = sid * NC + cid
        pltpu.sync_copy(idx_hbm.at[pl.ds(wid * gpw, gpw)], idx_v)
        pltpu.make_async_copy(rgbT_hbm.at[idx_v.at[0]], rows0, sem0).start()

        def body(i, carry):
            g0 = 2 * i
            pltpu.make_async_copy(rgbT_hbm.at[idx_v.at[g0 + 1]], rows1, sem1).start()
            pltpu.make_async_copy(rgbT_hbm.at[idx_v.at[g0]], rows0, sem0).wait()

            @pl.when(g0 + 2 < gpw)
            def _():
                pltpu.make_async_copy(
                    rgbT_hbm.at[idx_v.at[g0 + 2]], rows0, sem0).start()

            pltpu.make_async_copy(rgbT_hbm.at[idx_v.at[g0 + 1]], rows1, sem1).wait()
            base = wid * ppw + g0 * CP
            pltpu.sync_copy(pool_v, out_hbm.at[pl.ds(base, 2 * CP)])
            return carry

        lax.fori_loop(0, gpw // 2, body, 0)

    return k(rgbT, idx2d)


def _fold_bn(W, b, bn):
    g, bb, m, v = bn
    s = g / jnp.sqrt(v + 1e-5)
    return W * s[:, None], b * s + bb - m * s


def _mlp_tc(pooled, pcdT, ws, n_pad, blk):
    grid = n_pad // blk

    def body(pooled_ref, pcd_ref,
             W1, b1, W2, b2, W3a, W3b, b3, W4, b4,
             W5a, W5b, b5, W6, b6, W7, b7, W8, b8, w9, b9,
             feat_ref, score_ref):
        x = pooled_ref[...]
        h = jnp.maximum(jnp.dot(x, W1[...],
                                preferred_element_type=jnp.float32) + b1[...], 0.0)
        fused = jnp.dot(h, W2[...], preferred_element_type=jnp.float32) + b2[...]
        vmax = x[:, :C]
        h = jnp.maximum(
            jnp.dot(vmax, W3a[...], preferred_element_type=jnp.float32)
            + jnp.dot(fused, W3b[...], preferred_element_type=jnp.float32)
            + b3[...], 0.0)
        rgbp = jnp.dot(h, W4[...], preferred_element_type=jnp.float32) + b4[...]
        h = jnp.maximum(
            jnp.dot(pcd_ref[...], W5a[...], preferred_element_type=jnp.float32)
            + jnp.dot(rgbp, W5b[...], preferred_element_type=jnp.float32)
            + b5[...], 0.0)
        h = jnp.maximum(jnp.dot(h, W6[...],
                                preferred_element_type=jnp.float32) + b6[...], 0.0)
        fp = jnp.dot(h, W7[...], preferred_element_type=jnp.float32) + b7[...]
        s = jnp.maximum(jnp.dot(fp, W8[...],
                                preferred_element_type=jnp.float32) + b8[...], 0.0)
        logit = jnp.sum(s * w9[...], axis=1, keepdims=True) + b9[...]
        score_ref[...] = jax.nn.sigmoid(logit)
        nrm = jnp.sqrt(jnp.sum(fp * fp, axis=1, keepdims=True))
        feat_ref[...] = fp / jnp.maximum(nrm, 1e-12)

    full = lambda shape: pl.BlockSpec(shape, lambda i: (0,) * len(shape))
    in_specs = [
        pl.BlockSpec((blk, 3 * C), lambda i: (i, 0)),
        pl.BlockSpec((blk, 32), lambda i: (i, 0)),
    ] + [full(w.shape) for w in ws]
    out_specs = [
        pl.BlockSpec((blk, C), lambda i: (i, 0)),
        pl.BlockSpec((blk, 1), lambda i: (i, 0)),
    ]
    feats, scores = pl.pallas_call(
        body,
        grid=(grid,),
        in_specs=in_specs,
        out_specs=out_specs,
        out_shape=[
            jax.ShapeDtypeStruct((n_pad, C), jnp.float32),
            jax.ShapeDtypeStruct((n_pad, 1), jnp.float32),
        ],
    )(pooled, pcdT, *ws)
    return feats, scores


def kernel(pcd_xyz, pcd_features, rgb_xyz, rgb_features, neighbor_idx, params):
    n = rgb_features.shape[1]
    p = params
    blk = 512
    unit = NW * CP
    n_pad = ((n + blk - 1) // blk) * blk
    if n_pad % unit:
        n_pad = ((n_pad + unit - 1) // unit) * unit

    rgbT = rgb_features.T
    idx = neighbor_idx.astype(jnp.int32)
    idx = jnp.pad(idx, ((0, n_pad - n), (0, 0)))
    idx2d = idx.reshape(n_pad * K // ROWS, ROWS)
    pcdT = pcd_features.T
    pcdT = jnp.pad(pcdT, ((0, n_pad - n), (0, 0)))

    W1, b1 = _fold_bn(p['cc1_W'], p['cc1_b'], p['cc1_bn'])
    W3, b3 = _fold_bn(p['co1_W'], p['co1_b'], p['co1_bn'])
    W5, b5 = _fold_bn(p['dh1_W'], p['dh1_b'], p['dh1_bn'])
    W6, b6 = _fold_bn(p['dh2_W'], p['dh2_b'], p['dh2_bn'])
    W8, b8 = _fold_bn(p['sh1_W'], p['sh1_b'], p['sh1_bn'])
    W1t = W1.T
    W2t = p['cc2_W'].T
    W3t = W3.T
    W4t = p['co2_W'].T
    W5t = W5.T
    W6t = W6.T
    W7t = p['dh3_W'].T
    W8t = W8.T
    ws = [
        W1t, b1[None, :], W2t, p['cc2_b'][None, :],
        W3t[:C], W3t[C:], b3[None, :], W4t, p['co2_b'][None, :],
        W5t[:32], W5t[32:], b5[None, :], W6t, b6[None, :],
        W7t, p['dh3_b'][None, :], W8t, b8[None, :],
        p['sh2_W'], p['sh2_b'][None, :],
    ]

    pooled = _pool_sc(rgbT, idx2d, n_pad)

    feats, scores = _mlp_tc(pooled, pcdT, ws, n_pad, blk)

    vote_features = feats[:n]
    vote_scores = scores[:n, 0]
    return pcd_xyz, vote_scores, vote_features

# --- scband reference (transcript-rebuilt; emitter-appended) ---
"""Pipeline reference for scband-vote-fusion-module-direct-assign-26688926777517 (READ-ONLY COPY).

The authoritative reference and input builder live on the scoring server;
editing this copy changes nothing except your own understanding.
"""

import jax, jax.numpy as jnp
import numpy as np


def _conv(x, W, b):
    # Conv1d with kernel_size=1 over [C, N] layout == matmul
    return W @ x + b[:, None]


def _bn(x, g, b, m, v):
    # BatchNorm1d in eval mode with running stats
    return (x - m[:, None]) / jnp.sqrt(v[:, None] + 1e-5) * g[:, None] + b[:, None]


def _make_params(key):
    ks = jax.random.split(key, 16)
    p = {}
    def lin(k, o, i):
        kk = jax.random.split(k, 2)
        return (jax.random.normal(kk[0], (o, i), jnp.float32) * 0.05,
                jax.random.normal(kk[1], (o,), jnp.float32) * 0.05)
    def bnp(k, c):
        kk = jax.random.split(k, 2)
        return (jnp.ones((c,), jnp.float32), jnp.zeros((c,), jnp.float32),
                jax.random.normal(kk[0], (c,), jnp.float32) * 0.01,
                jnp.ones((c,), jnp.float32) + jax.random.uniform(kk[1], (c,), jnp.float32) * 0.1)
    p['cc1_W'], p['cc1_b'] = lin(ks[0], 384, 384)   # conv_concat[0]: Conv1d(128*3, 128*3)
    p['cc1_bn'] = bnp(ks[1], 384)
    p['cc2_W'], p['cc2_b'] = lin(ks[2], 128, 384)   # conv_concat[3]: Conv1d(128*3, 128)
    p['co1_W'], p['co1_b'] = lin(ks[3], 256, 256)   # conv_out[0]: Conv1d(256, 256)
    p['co1_bn'] = bnp(ks[4], 256)
    p['co2_W'], p['co2_b'] = lin(ks[5], 128, 256)   # conv_out[3]: Conv1d(256, 128)
    p['dh1_W'], p['dh1_b'] = lin(ks[6], 160, 160)   # direct_feature_header Conv1d(128+32, 128+32)
    p['dh1_bn'] = bnp(ks[7], 160)
    p['dh2_W'], p['dh2_b'] = lin(ks[8], 160, 160)
    p['dh2_bn'] = bnp(ks[9], 160)
    p['dh3_W'], p['dh3_b'] = lin(ks[10], 128, 160)  # -> out_dim
    p['sh1_W'], p['sh1_b'] = lin(ks[11], 128, 128)  # vote_score_header Conv1d(vote_c, vote_c)
    p['sh1_bn'] = bnp(ks[12], 128)
    p['sh2_W'], p['sh2_b'] = lin(ks[13], 1, 128)    # Conv1d(vote_c, 1)
    return p


def setup_inputs(seed: int = 0):
    key = jax.random.key(seed)
    ks = jax.random.split(key, 6)
    N = 10000
    K = 32
    return {
        'pcd_xyz': jax.random.uniform(ks[0], (N, 3), jnp.float32),
        'pcd_features': jax.random.normal(ks[1], (32, N), jnp.float32),
        'rgb_xyz': jax.random.uniform(ks[2], (N, 3), jnp.float32),
        'rgb_features': jax.random.normal(ks[3], (128, N), jnp.float32),
        'neighbor_idx': jax.random.randint(ks[4], (N, K), 0, N),
        'params': _make_params(ks[5]),
    }


def _forward(pcd_xyz, pcd_features, rgb_features, neighbor_idx, p):
    # assign_rgb_features, method='fuception': ball-query neighborhoods of each pcd
    # point in the rgb cloud (precomputed as neighbor_idx), gather rgb features,
    # build 3 pooled views, fuse with conv_concat/conv_out.
    gathered = rgb_features[:, neighbor_idx]            # [128, N, K]  (SparseCore gather)
    vmax = gathered.max(axis=2)
    vmean = gathered.mean(axis=2)
    vmin = gathered.min(axis=2)
    views = jnp.concatenate([vmax, vmean, vmin], axis=0)  # [128*3, N]
    h = _conv(views, p['cc1_W'], p['cc1_b'])
    h = jax.nn.relu(_bn(h, *p['cc1_bn']))
    fused = _conv(h, p['cc2_W'], p['cc2_b'])              # [128, N]
    cat = jnp.concatenate([vmax, fused], axis=0)          # [256, N]
    h = _conv(cat, p['co1_W'], p['co1_b'])
    h = jax.nn.relu(_bn(h, *p['co1_bn']))
    rgb_pooled = _conv(h, p['co2_W'], p['co2_b'])         # [128, N]
    full = jnp.concatenate([pcd_features, rgb_pooled], axis=0)  # [160, N]
    # use_direct_header=True branch: direct_feature_header
    h = _conv(full, p['dh1_W'], p['dh1_b'])
    h = jax.nn.relu(_bn(h, *p['dh1_bn']))
    h = _conv(h, p['dh2_W'], p['dh2_b'])
    h = jax.nn.relu(_bn(h, *p['dh2_bn']))
    fp = _conv(h, p['dh3_W'], p['dh3_b'])                 # [128, N]
    # score_type='header'
    s = _conv(fp, p['sh1_W'], p['sh1_b'])
    s = jax.nn.relu(_bn(s, *p['sh1_bn']))
    vote_scores = jax.nn.sigmoid(_conv(s, p['sh2_W'], p['sh2_b']))[0]  # [N]
    vote_features = fp.T                                  # [N, 128]
    vote_features = vote_features / jnp.maximum(
        jnp.linalg.norm(vote_features, axis=1, keepdims=True), 1e-12)  # F.normalize p=2 dim=2
    return pcd_xyz, vote_scores, vote_features


def reference(pcd_xyz, pcd_features, rgb_xyz, rgb_features, neighbor_idx, params):
    # returns (vote_xyz, vote_scores, vote_features)
    return _forward(pcd_xyz, pcd_features, rgb_features, neighbor_idx, params)

if __name__ == "__main__":
    import jax
    _d = setup_inputs()
    print(jax.jit(kernel)(*tuple(_d.values())))

</pallas_src>

<mosaic_0001>
#map = affine_map<(d0, d1) -> (0, 0)>
module attributes {stable_mosaic.version = 14 : i64} {
  func.func @k(%arg0: i32, %arg1: i32, %arg2: memref<10000x128xf32, #tpu.memory_space<hbm>>, %arg3: memref<2560x128xi32, #tpu.memory_space<hbm>>, %arg4: memref<10240x384xf32, #tpu.memory_space<hbm>>, %arg5: memref<80x128xi32, #tpu.memory_space<vmem>>, %arg6: memref<128x128xf32, #tpu.memory_space<vmem>>, %arg7: memref<128x128xf32, #tpu.memory_space<vmem>>, %arg8: memref<8x384xf32, #tpu.memory_space<vmem>>, %arg9: memref<!tpu.dma_semaphore, #tpu.memory_space<semaphore_mem>>, %arg10: memref<!tpu.dma_semaphore, #tpu.memory_space<semaphore_mem>>) attributes {dimension_semantics = [#tpu.dimension_semantics<core_parallel>, #tpu.dimension_semantics<subcore_parallel>], iteration_bounds = array<i64: 2, 16>, scalar_prefetch = 0 : i64, scratch_operands = 6 : i64, tpu.core_type = #tpu.core_type<sc_vector_subcore>, window_params = [{transform_indices = #map}, {transform_indices = #map}, {transform_indices = #map}]} {
    %mul3A = arith.constant 2 : i32
    %mul3A_0 = arith.muli %arg1, %mul3A : i32
    %add3A = arith.addi %mul3A_0, %arg0 : i32
    %mul3A_1 = arith.constant 80 : i32
    %mul3A_2 = arith.muli %add3A, %mul3A_1 : i32
    "tpu.region"() ({
      %run_scoped3A = tpu.sem_alloc : memref<!tpu.dma_semaphore, #tpu.memory_space<semaphore_mem>>
      %dma_start3A_14 = arith.constant 0 : i32
      %dma_start3A_15 = tpu.memref_slice %arg3[%mul3A_2, %dma_start3A_14] : memref<2560x128xi32, #tpu.memory_space<hbm>> -> memref<80x128xi32, #tpu.memory_space<hbm>>
      %dma_start3A_16 = arith.constant 0 : i32
      %dma_start3A_17 = tpu.memref_slice %arg3[%mul3A_2, %dma_start3A_16] : memref<2560x128xi32, #tpu.memory_space<hbm>> -> memref<80x128xi32, #tpu.memory_space<hbm>>
      tpu.enqueue_dma source(%dma_start3A_17 : memref<80x128xi32, #tpu.memory_space<hbm>>) target(%arg5 : memref<80x128xi32, #tpu.memory_space<vmem>>) target_semaphore(%run_scoped3A : memref<!tpu.dma_semaphore, #tpu.memory_space<semaphore_mem>>)
      %dma_wait3A = arith.constant 0 : i32
      %dma_wait3A_18 = tpu.memref_slice %arg3[%mul3A_2, %dma_wait3A] : memref<2560x128xi32, #tpu.memory_space<hbm>> -> memref<80x128xi32, #tpu.memory_space<hbm>>
      %dma_wait3A_19 = arith.constant 0 : i32
      %dma_wait3A_20 = tpu.memref_slice %arg3[%mul3A_2, %dma_wait3A_19] : memref<2560x128xi32, #tpu.memory_space<hbm>> -> memref<80x128xi32, #tpu.memory_space<hbm>>
      tpu.wait_dma2 semaphore(%run_scoped3A : memref<!tpu.dma_semaphore, #tpu.memory_space<semaphore_mem>>) src(%dma_wait3A_20 : memref<80x128xi32, #tpu.memory_space<hbm>>) dst(%arg5 : memref<80x128xi32, #tpu.memory_space<vmem>>)
      tpu.yield
    }) : () -> ()
    %dma_start3A = arith.constant 0 : i32
    %dma_start3A_3 = arith.constant 0 : i32
    %dma_start3A_4 = tpu.memref_slice %arg5[%dma_start3A, %dma_start3A_3] : memref<80x128xi32, #tpu.memory_space<vmem>> -> memref<1x128xi32, #tpu.memory_space<vmem>>
    %dma_start3A_5 = tpu.memref_squeeze %dma_start3A_4 : memref<1x128xi32, #tpu.memory_space<vmem>> -> memref<128xi32, #tpu.memory_space<vmem>>
    %dma_start3A_6 = arith.constant 0 : i32
    %dma_start3A_7 = arith.constant 0 : i32
    %dma_start3A_8 = tpu.memref_slice %arg2[%dma_start3A_6, %dma_start3A_7] : memref<10000x128xf32, #tpu.memory_space<hbm>> -> memref<10000x128xf32, #tpu.memory_space<hbm>>
    tpu.enqueue_indirect_dma source(%dma_start3A_8 : memref<10000x128xf32, #tpu.memory_space<hbm>>) target(%arg6 : memref<128x128xf32, #tpu.memory_space<vmem>>) offsets(%dma_start3A_5 : memref<128xi32, #tpu.memory_space<vmem>>) semaphore(%arg9 : memref<!tpu.dma_semaphore, #tpu.memory_space<semaphore_mem>>)
    %scan3A = arith.constant 0 : i32
    %scan3A_9 = arith.constant 0 : i32
    %scan3A_10 = arith.constant 40 : i32
    %scan3A_11 = arith.addi %scan3A_9, %scan3A_10 : i32
    %scan3A_12 = arith.constant 1 : i32
    scf.for %scan3A_14 = %scan3A_9 to %scan3A_11 step %scan3A_12  : i32 {
      %mul3A_15 = arith.constant 2 : i32
      %mul3A_16 = arith.muli %mul3A_15, %scan3A_14 : i32
      %add3A_17 = arith.constant 1 : i32
      %add3A_18 = arith.addi %mul3A_16, %add3A_17 : i32
      %dma_start3A_19 = arith.constant 0 : i32
      %dma_start3A_20 = tpu.memref_slice %arg5[%add3A_18, %dma_start3A_19] : memref<80x128xi32, #tpu.memory_space<vmem>> -> memref<1x128xi32, #tpu.memory_space<vmem>>
      %dma_start3A_21 = tpu.memref_squeeze %dma_start3A_20 : memref<1x128xi32, #tpu.memory_space<vmem>> -> memref<128xi32, #tpu.memory_space<vmem>>
      %dma_start3A_22 = arith.constant 0 : i32
      %dma_start3A_23 = arith.constant 0 : i32
      %dma_start3A_24 = tpu.memref_slice %arg2[%dma_start3A_22, %dma_start3A_23] : memref<10000x128xf32, #tpu.memory_space<hbm>> -> memref<10000x128xf32, #tpu.memory_space<hbm>>
      tpu.enqueue_indirect_dma source(%dma_start3A_24 : memref<10000x128xf32, #tpu.memory_space<hbm>>) target(%arg7 : memref<128x128xf32, #tpu.memory_space<vmem>>) offsets(%dma_start3A_21 : memref<128xi32, #tpu.memory_space<vmem>>) semaphore(%arg10 : memref<!tpu.dma_semaphore, #tpu.memory_space<semaphore_mem>>)
      %dma_wait3A = arith.constant 0 : i32
      %dma_wait3A_25 = tpu.memref_slice %arg5[%mul3A_16, %dma_wait3A] : memref<80x128xi32, #tpu.memory_space<vmem>> -> memref<1x128xi32, #tpu.memory_space<vmem>>
      %dma_wait3A_26 = tpu.memref_squeeze %dma_wait3A_25 : memref<1x128xi32, #tpu.memory_space<vmem>> -> memref<128xi32, #tpu.memory_space<vmem>>
      %dma_wait3A_27 = arith.constant 0 : i32
      %dma_wait3A_28 = arith.constant 0 : i32
      %dma_wait3A_29 = tpu.memref_slice %arg2[%dma_wait3A_27, %dma_wait3A_28] : memref<10000x128xf32, #tpu.memory_space<hbm>> -> memref<10000x128xf32, #tpu.memory_space<hbm>>
      tpu.wait_indirect_dma semaphore(%arg9 : memref<!tpu.dma_semaphore, #tpu.memory_space<semaphore_mem>>) src(%dma_wait3A_29 : memref<10000x128xf32, #tpu.memory_space<hbm>>) dst(%arg6 : memref<128x128xf32, #tpu.memory_space<vmem>>)
      %add3A_30 = arith.constant 2 : i32
      %add3A_31 = arith.addi %mul3A_16, %add3A_30 : i32
      %lt3A = arith.constant 80 : i32
      %lt3A_32 = arith.cmpi slt, %add3A_31, %lt3A : i32
      %convert_element_type3A = arith.extui %lt3A_32 : i1 to i32
      %cond3A = arith.constant 0 : i32
      %cond3A_33 = arith.cmpi ne, %convert_element_type3A, %cond3A : i32
      scf.if %cond3A_33 {
        %add3A_47 = arith.constant 2 : i32
        %add3A_48 = arith.addi %mul3A_16, %add3A_47 : i32
        %dma_start3A_49 = arith.constant 0 : i32
        %dma_start3A_50 = tpu.memref_slice %arg5[%add3A_48, %dma_start3A_49] : memref<80x128xi32, #tpu.memory_space<vmem>> -> memref<1x128xi32, #tpu.memory_space<vmem>>
        %dma_start3A_51 = tpu.memref_squeeze %dma_start3A_50 : memref<1x128xi32, #tpu.memory_space<vmem>> -> memref<128xi32, #tpu.memory_space<vmem>>
        %dma_start3A_52 = arith.constant 0 : i32
        %dma_start3A_53 = arith.constant 0 : i32
        %dma_start3A_54 = tpu.memref_slice %arg2[%dma_start3A_52, %dma_start3A_53] : memref<10000x128xf32, #tpu.memory_space<hbm>> -> memref<10000x128xf32, #tpu.memory_space<hbm>>
        tpu.enqueue_indirect_dma source(%dma_start3A_54 : memref<10000x128xf32, #tpu.memory_space<hbm>>) target(%arg6 : memref<128x128xf32, #tpu.memory_space<vmem>>) offsets(%dma_start3A_51 : memref<128xi32, #tpu.memory_space<vmem>>) semaphore(%arg9 : memref<!tpu.dma_semaphore, #tpu.memory_space<semaphore_mem>>)
      } else {
      }
      %add3A_34 = arith.constant 1 : i32
      %add3A_35 = arith.addi %mul3A_16, %add3A_34 : i32
      %dma_wait3A_36 = arith.constant 0 : i32
      %dma_wait3A_37 = tpu.memref_slice %arg5[%add3A_35, %dma_wait3A_36] : memref<80x128xi32, #tpu.memory_space<vmem>> -> memref<1x128xi32, #tpu.memory_space<vmem>>
      %dma_wait3A_38 = tpu.memref_squeeze %dma_wait3A_37 : memref<1x128xi32, #tpu.memory_space<vmem>> -> memref<128xi32, #tpu.memory_space<vmem>>
      %dma_wait3A_39 = arith.constant 0 : i32
      %dma_wait3A_40 = arith.constant 0 : i32
      %dma_wait3A_41 = tpu.memref_slice %arg2[%dma_wait3A_39, %dma_wait3A_40] : memref<10000x128xf32, #tpu.memory_space<hbm>> -> memref<10000x128xf32, #tpu.memory_space<hbm>>
      tpu.wait_indirect_dma semaphore(%arg10 : memref<!tpu.dma_semaphore, #tpu.memory_space<semaphore_mem>>) src(%dma_wait3A_41 : memref<10000x128xf32, #tpu.memory_space<hbm>>) dst(%arg7 : memref<128x128xf32, #tpu.memory_space<vmem>>)
      %mul3A_42 = arith.constant 320 : i32
      %mul3A_43 = arith.muli %add3A, %mul3A_42 : i32
      %mul3A_44 = arith.constant 4 : i32
      %mul3A_45 = arith.muli %mul3A_16, %mul3A_44 : i32
      %add3A_46 = arith.addi %mul3A_43, %mul3A_45 : i32
      "tpu.region"() ({
        %run_scoped3A = tpu.sem_alloc : memref<!tpu.dma_semaphore, #tpu.memory_space<semaphore_mem>>
        %dma_start3A_47 = arith.constant 0 : i32
        %dma_start3A_48 = tpu.memref_slice %arg4[%add3A_46, %dma_start3A_47] : memref<10240x384xf32, #tpu.memory_space<hbm>> -> memref<8x384xf32, #tpu.memory_space<hbm>>
        %dma_start3A_49 = arith.constant 0 : i32
        %dma_start3A_50 = tpu.memref_slice %arg4[%add3A_46, %dma_start3A_49] : memref<10240x384xf32, #tpu.memory_space<hbm>> -> memref<8x384xf32, #tpu.memory_space<hbm>>
        tpu.enqueue_dma source(%arg8 : memref<8x384xf32, #tpu.memory_space<vmem>>) target(%dma_start3A_50 : memref<8x384xf32, #tpu.memory_space<hbm>>) target_semaphore(%run_scoped3A : memref<!tpu.dma_semaphore, #tpu.memory_space<semaphore_mem>>)
        %dma_wait3A_51 = arith.constant 0 : i32
        %dma_wait3A_52 = tpu.memref_slice %arg4[%add3A_46, %dma_wait3A_51] : memref<10240x384xf32, #tpu.memory_space<hbm>> -> memref<8x384xf32, #tpu.memory_space<hbm>>
        %dma_wait3A_53 = arith.constant 0 : i32
        %dma_wait3A_54 = tpu.memref_slice %arg4[%add3A_46, %dma_wait3A_53] : memref<10240x384xf32, #tpu.memory_space<hbm>> -> memref<8x384xf32, #tpu.memory_space<hbm>>
        tpu.wait_dma2 semaphore(%run_scoped3A : memref<!tpu.dma_semaphore, #tpu.memory_space<semaphore_mem>>) src(%arg8 : memref<8x384xf32, #tpu.memory_space<vmem>>) dst(%dma_wait3A_54 : memref<8x384xf32, #tpu.memory_space<hbm>>)
        tpu.yield
      }) : () -> ()
    }
    %scan3A_13 = arith.constant 40 : i32
    return
  }
}

module attributes {stable_mosaic.version = 14 : i64} {
  func.func @body(%arg0: i32, %arg1: memref<512x384xf32, #tpu.memory_space<vmem>>, %arg2: memref<512x32xf32, #tpu.memory_space<vmem>>, %arg3: memref<384x384xf32, #tpu.memory_space<vmem>>, %arg4: memref<1x384xf32, #tpu.memory_space<vmem>>, %arg5: memref<384x128xf32, #tpu.memory_space<vmem>>, %arg6: memref<1x128xf32, #tpu.memory_space<vmem>>, %arg7: memref<128x256xf32, #tpu.memory_space<vmem>>, %arg8: memref<128x256xf32, #tpu.memory_space<vmem>>, %arg9: memref<1x256xf32, #tpu.memory_space<vmem>>, %arg10: memref<256x128xf32, #tpu.memory_space<vmem>>, %arg11: memref<1x128xf32, #tpu.memory_space<vmem>>, %arg12: memref<32x160xf32, #tpu.memory_space<vmem>>, %arg13: memref<128x160xf32, #tpu.memory_space<vmem>>, %arg14: memref<1x160xf32, #tpu.memory_space<vmem>>, %arg15: memref<160x160xf32, #tpu.memory_space<vmem>>, %arg16: memref<1x160xf32, #tpu.memory_space<vmem>>, %arg17: memref<160x128xf32, #tpu.memory_space<vmem>>, %arg18: memref<1x128xf32, #tpu.memory_space<vmem>>, %arg19: memref<128x128xf32, #tpu.memory_space<vmem>>, %arg20: memref<1x128xf32, #tpu.memory_space<vmem>>, %arg21: memref<1x128xf32, #tpu.memory_space<vmem>>, %arg22: memref<1x1xf32, #tpu.memory_space<vmem>>, %arg23: memref<512x128xf32, #tpu.memory_space<vmem>>, %arg24: memref<512x1xf32, #tpu.memory_space<vmem>>) attributes {dimension_semantics = [#tpu.dimension_semantics<arbitrary>], iteration_bounds = array<i64: 20>, scalar_prefetch = 0 : i64, scratch_operands = 0 : i64, tpu.core_type = #tpu.core_type<tc>, window_params = [{transform_indices = @transform_0, window_bounds = array<i64: 512, 384>}, {transform_indices = @transform_1, window_bounds = array<i64: 512, 32>}, {pipeline_mode = #tpu.pipeline_mode<synchronous>, transform_indices = @transform_2, window_bounds = array<i64: 384, 384>}, {pipeline_mode = #tpu.pipeline_mode<synchronous>, transform_indices = @transform_3, window_bounds = array<i64: 1, 384>}, {pipeline_mode = #tpu.pipeline_mode<synchronous>, transform_indices = @transform_4, window_bounds = array<i64: 384, 128>}, {pipeline_mode = #tpu.pipeline_mode<synchronous>, transform_indices = @transform_5, window_bounds = array<i64: 1, 128>}, {pipeline_mode = #tpu.pipeline_mode<synchronous>, transform_indices = @transform_6, window_bounds = array<i64: 128, 256>}, {pipeline_mode = #tpu.pipeline_mode<synchronous>, transform_indices = @transform_7, window_bounds = array<i64: 128, 256>}, {pipeline_mode = #tpu.pipeline_mode<synchronous>, transform_indices = @transform_8, window_bounds = array<i64: 1, 256>}, {pipeline_mode = #tpu.pipeline_mode<synchronous>, transform_indices = @transform_9, window_bounds = array<i64: 256, 128>}, {pipeline_mode = #tpu.pipeline_mode<synchronous>, transform_indices = @transform_10, window_bounds = array<i64: 1, 128>}, {pipeline_mode = #tpu.pipeline_mode<synchronous>, transform_indices = @transform_11, window_bounds = array<i64: 32, 160>}, {pipeline_mode = #tpu.pipeline_mode<synchronous>, transform_indices = @transform_12, window_bounds = array<i64: 128, 160>}, {pipeline_mode = #tpu.pipeline_mode<synchronous>, transform_indices = @transform_13, window_bounds = array<i64: 1, 160>}, {pipeline_mode = #tpu.pipeline_mode<synchronous>, transform_indices = @transform_14, window_bounds = array<i64: 160, 160>}, {pipeline_mode = #tpu.pipeline_mode<synchronous>, transform_indices = @transform_15, window_bounds = array<i64: 1, 160>}, {pipeline_mode = #tpu.pipeline_mode<synchronous>, transform_indices = @transform_16, window_bounds = array<i64: 160, 128>}, {pipeline_mode = #tpu.pipeline_mode<synchronous>, transform_indices = @transform_17, window_bounds = array<i64: 1, 128>}, {pipeline_mode = #tpu.pipeline_mode<synchronous>, transform_indices = @transform_18, window_bounds = array<i64: 128, 128>}, {pipeline_mode = #tpu.pipeline_mode<synchronous>, transform_indices = @transform_19, window_bounds = array<i64: 1, 128>}, {pipeline_mode = #tpu.pipeline_mode<synchronous>, transform_indices = @transform_20, window_bounds = array<i64: 1, 128>}, {pipeline_mode = #tpu.pipeline_mode<synchronous>, transform_indices = @transform_21, window_bounds = array<i64: 1, 1>}, {transform_indices = @transform_22, window_bounds = array<i64: 512, 128>}, {transform_indices = @transform_23, window_bounds = array<i64: 512, 1>}]} {
    %get3A = arith.constant 0 : index
    %get3A_0 = arith.constant 0 : index
    %get3A_1 = vector.load %arg1[%get3A, %get3A_0] : memref<512x384xf32, #tpu.memory_space<vmem>>, vector<512x384xf32>
    %get3A_2 = arith.constant 0 : index
    %get3A_3 = arith.constant 0 : index
    %get3A_4 = vector.load %arg3[%get3A_2, %get3A_3] : memref<384x384xf32, #tpu.memory_space<vmem>>, vector<384x384xf32>
    %dot_general3A = arith.constant dense<0.000000e+00> : vector<512x384xf32>
    %dot_general3A_5 = tpu.matmul %get3A_1, %get3A_4, %dot_general3A {dimension_numbers = #tpu.dot_dimension_numbers<[1], [0], [0], [1], [0, 0, 1, 1], [], []>, transpose_lhs_hint = false} : vector<512x384xf32>, vector<384x384xf32>, vector<512x384xf32> -> vector<512x384xf32>
    %get3A_6 = arith.constant 0 : index
    %get3A_7 = arith.constant 0 : index
    %get3A_8 = vector.load %arg4[%get3A_6, %get3A_7] : memref<1x384xf32, #tpu.memory_space<vmem>>, vector<1x384xf32>
    %add3A = vector.broadcast %get3A_8 : vector<1x384xf32> to vector<512x384xf32>
    %add3A_9 = arith.addf %dot_general3A_5, %add3A : vector<512x384xf32>
    %max3A = arith.constant 0.000000e+00 : f32
    %max3A_10 = vector.broadcast %max3A : f32 to vector<512x384xf32>
    %max3A_11 = arith.maximumf %add3A_9, %max3A_10 : vector<512x384xf32>
    %get3A_12 = arith.constant 0 : index
    %get3A_13 = arith.constant 0 : index
    %get3A_14 = vector.load %arg5[%get3A_12, %get3A_13] : memref<384x128xf32, #tpu.memory_space<vmem>>, vector<384x128xf32>
    %dot_general3A_15 = arith.constant dense<0.000000e+00> : vector<512x128xf32>
    %dot_general3A_16 = tpu.matmul %max3A_11, %get3A_14, %dot_general3A_15 {dimension_numbers = #tpu.dot_dimension_numbers<[1], [0], [0], [1], [0, 0, 1, 1], [], []>, transpose_lhs_hint = false} : vector<512x384xf32>, vector<384x128xf32>, vector<512x128xf32> -> vector<512x128xf32>
    %get3A_17 = arith.constant 0 : index
    %get3A_18 = arith.constant 0 : index
    %get3A_19 = vector.load %arg6[%get3A_17, %get3A_18] : memref<1x128xf32, #tpu.memory_space<vmem>>, vector<1x128xf32>
    %add3A_20 = vector.broadcast %get3A_19 : vector<1x128xf32> to vector<512x128xf32>
    %add3A_21 = arith.addf %dot_general3A_16, %add3A_20 : vector<512x128xf32>
    %slice3A = vector.extract_strided_slice %get3A_1 {offsets = [0, 0], sizes = [512, 128], strides = [1, 1]} : vector<512x384xf32> to vector<512x128xf32>
    %get3A_22 = arith.constant 0 : index
    %get3A_23 = arith.constant 0 : index
    %get3A_24 = vector.load %arg7[%get3A_22, %get3A_23] : memref<128x256xf32, #tpu.memory_space<vmem>>, vector<128x256xf32>
    %dot_general3A_25 = arith.constant dense<0.000000e+00> : vector<512x256xf32>
    %dot_general3A_26 = tpu.matmul %slice3A, %get3A_24, %dot_general3A_25 {dimension_numbers = #tpu.dot_dimension_numbers<[1], [0], [0], [1], [0, 0, 1, 1], [], []>, transpose_lhs_hint = false} : vector<512x128xf32>, vector<128x256xf32>, vector<512x256xf32> -> vector<512x256xf32>
    %get3A_27 = arith.constant 0 : index
    %get3A_28 = arith.constant 0 : index
    %get3A_29 = vector.load %arg8[%get3A_27, %get3A_28] : memref<128x256xf32, #tpu.memory_space<vmem>>, vector<128x256xf32>
    %dot_general3A_30 = arith.constant dense<0.000000e+00> : vector<512x256xf32>
    %dot_general3A_31 = tpu.matmul %add3A_21, %get3A_29, %dot_general3A_30 {dimension_numbers = #tpu.dot_dimension_numbers<[1], [0], [0], [1], [0, 0, 1, 1], [], []>, transpose_lhs_hint = false} : vector<512x128xf32>, vector<128x256xf32>, vector<512x256xf32> -> vector<512x256xf32>
    %add3A_32 = arith.addf %dot_general3A_26, %dot_general3A_31 : vector<512x256xf32>
    %get3A_33 = arith.constant 0 : index
    %get3A_34 = arith.constant 0 : index
    %get3A_35 = vector.load %arg9[%get3A_33, %get3A_34] : memref<1x256xf32, #tpu.memory_space<vmem>>, vector<1x256xf32>
    %add3A_36 = vector.broadcast %get3A_35 : vector<1x256xf32> to vector<512x256xf32>
    %add3A_37 = arith.addf %add3A_32, %add3A_36 : vector<512x256xf32>
    %max3A_38 = arith.constant 0.000000e+00 : f32
    %max3A_39 = vector.broadcast %max3A_38 : f32 to vector<512x256xf32>
    %max3A_40 = arith.maximumf %add3A_37, %max3A_39 : vector<512x256xf32>
    %get3A_41 = arith.constant 0 : index
    %get3A_42 = arith.constant 0 : index
    %get3A_43 = vector.load %arg10[%get3A_41, %get3A_42] : memref<256x128xf32, #tpu.memory_space<vmem>>, vector<256x128xf32>
    %dot_general3A_44 = arith.constant dense<0.000000e+00> : vector<512x128xf32>
    %dot_general3A_45 = tpu.matmul %max3A_40, %get3A_43, %dot_general3A_44 {dimension_numbers = #tpu.dot_dimension_numbers<[1], [0], [0], [1], [0, 0, 1, 1], [], []>, transpose_lhs_hint = false} : vector<512x256xf32>, vector<256x128xf32>, vector<512x128xf32> -> vector<512x128xf32>
    %get3A_46 = arith.constant 0 : index
    %get3A_47 = arith.constant 0 : index
    %get3A_48 = vector.load %arg11[%get3A_46, %get3A_47] : memref<1x128xf32, #tpu.memory_space<vmem>>, vector<1x128xf32>
    %add3A_49 = vector.broadcast %get3A_48 : vector<1x128xf32> to vector<512x128xf32>
    %add3A_50 = arith.addf %dot_general3A_45, %add3A_49 : vector<512x128xf32>
    %get3A_51 = arith.constant 0 : index
    %get3A_52 = arith.constant 0 : index
    %get3A_53 = vector.load %arg2[%get3A_51, %get3A_52] : memref<512x32xf32, #tpu.memory_space<vmem>>, vector<512x32xf32>
    %get3A_54 = arith.constant 0 : index
    %get3A_55 = arith.constant 0 : index
    %get3A_56 = vector.load %arg12[%get3A_54, %get3A_55] : memref<32x160xf32, #tpu.memory_space<vmem>>, vector<32x160xf32>
    %dot_general3A_57 = arith.constant dense<0.000000e+00> : vector<512x160xf32>
    %dot_general3A_58 = tpu.matmul %get3A_53, %get3A_56, %dot_general3A_57 {dimension_numbers = #tpu.dot_dimension_numbers<[1], [0], [0], [1], [0, 0, 1, 1], [], []>, transpose_lhs_hint = false} : vector<512x32xf32>, vector<32x160xf32>, vector<512x160xf32> -> vector<512x160xf32>
    %get3A_59 = arith.constant 0 : index
    %get3A_60 = arith.constant 0 : index
    %get3A_61 = vector.load %arg13[%get3A_59, %get3A_60] : memref<128x160xf32, #tpu.memory_space<vmem>>, vector<128x160xf32>
    %dot_general3A_62 = arith.constant dense<0.000000e+00> : vector<512x160xf32>
    %dot_general3A_63 = tpu.matmul %add3A_50, %get3A_61, %dot_general3A_62 {dimension_numbers = #tpu.dot_dimension_numbers<[1], [0], [0], [1], [0, 0, 1, 1], [], []>, transpose_lhs_hint = false} : vector<512x128xf32>, vector<128x160xf32>, vector<512x160xf32> -> vector<512x160xf32>
    %add3A_64 = arith.addf %dot_general3A_58, %dot_general3A_63 : vector<512x160xf32>
    %get3A_65 = arith.constant 0 : index
    %get3A_66 = arith.constant 0 : index
    %get3A_67 = vector.load %arg14[%get3A_65, %get3A_66] : memref<1x160xf32, #tpu.memory_space<vmem>>, vector<1x160xf32>
    %add3A_68 = vector.broadcast %get3A_67 : vector<1x160xf32> to vector<512x160xf32>
    %add3A_69 = arith.addf %add3A_64, %add3A_68 : vector<512x160xf32>
    %max3A_70 = arith.constant 0.000000e+00 : f32
    %max3A_71 = vector.broadcast %max3A_70 : f32 to vector<512x160xf32>
    %max3A_72 = arith.maximumf %add3A_69, %max3A_71 : vector<512x160xf32>
    %get3A_73 = arith.constant 0 : index
    %get3A_74 = arith.constant 0 : index
    %get3A_75 = vector.load %arg15[%get3A_73, %get3A_74] : memref<160x160xf32, #tpu.memory_space<vmem>>, vector<160x160xf32>
    %dot_general3A_76 = arith.constant dense<0.000000e+00> : vector<512x160xf32>
    %dot_general3A_77 = tpu.matmul %max3A_72, %get3A_75, %dot_general3A_76 {dimension_numbers = #tpu.dot_dimension_numbers<[1], [0], [0], [1], [0, 0, 1, 1], [], []>, transpose_lhs_hint = false} : vector<512x160xf32>, vector<160x160xf32>, vector<512x160xf32> -> vector<512x160xf32>
    %get3A_78 = arith.constant 0 : index
    %get3A_79 = arith.constant 0 : index
    %get3A_80 = vector.load %arg16[%get3A_78, %get3A_79] : memref<1x160xf32, #tpu.memory_space<vmem>>, vector<1x160xf32>
    %add3A_81 = vector.broadcast %get3A_80 : vector<1x160xf32> to vector<512x160xf32>
    %add3A_82 = arith.addf %dot_general3A_77, %add3A_81 : vector<512x160xf32>
    %max3A_83 = arith.constant 0.000000e+00 : f32
    %max3A_84 = vector.broadcast %max3A_83 : f32 to vector<512x160xf32>
    %max3A_85 = arith.maximumf %add3A_82, %max3A_84 : vector<512x160xf32>
    %get3A_86 = arith.constant 0 : index
    %get3A_87 = arith.constant 0 : index
    %get3A_88 = vector.load %arg17[%get3A_86, %get3A_87] : memref<160x128xf32, #tpu.memory_space<vmem>>, vector<160x128xf32>
    %dot_general3A_89 = arith.constant dense<0.000000e+00> : vector<512x128xf32>
    %dot_general3A_90 = tpu.matmul %max3A_85, %get3A_88, %dot_general3A_89 {dimension_numbers = #tpu.dot_dimension_numbers<[1], [0], [0], [1], [0, 0, 1, 1], [], []>, transpose_lhs_hint = false} : vector<512x160xf32>, vector<160x128xf32>, vector<512x128xf32> -> vector<512x128xf32>
    %get3A_91 = arith.constant 0 : index
    %get3A_92 = arith.constant 0 : index
    %get3A_93 = vector.load %arg18[%get3A_91, %get3A_92] : memref<1x128xf32, #tpu.memory_space<vmem>>, vector<1x128xf32>
    %add3A_94 = vector.broadcast %get3A_93 : vector<1x128xf32> to vector<512x128xf32>
    %add3A_95 = arith.addf %dot_general3A_90, %add3A_94 : vector<512x128xf32>
    %get3A_96 = arith.constant 0 : index
    %get3A_97 = arith.constant 0 : index
    %get3A_98 = vector.load %arg19[%get3A_96, %get3A_97] : memref<128x128xf32, #tpu.memory_space<vmem>>, vector<128x128xf32>
    %dot_general3A_99 = arith.constant dense<0.000000e+00> : vector<512x128xf32>
    %dot_general3A_100 = tpu.matmul %add3A_95, %get3A_98, %dot_general3A_99 {dimension_numbers = #tpu.dot_dimension_numbers<[1], [0], [0], [1], [0, 0, 1, 1], [], []>, transpose_lhs_hint = false} : vector<512x128xf32>, vector<128x128xf32>, vector<512x128xf32> -> vector<512x128xf32>
    %get3A_101 = arith.constant 0 : index
    %get3A_102 = arith.constant 0 : index
    %get3A_103 = vector.load %arg20[%get3A_101, %get3A_102] : memref<1x128xf32, #tpu.memory_space<vmem>>, vector<1x128xf32>
    %add3A_104 = vector.broadcast %get3A_103 : vector<1x128xf32> to vector<512x128xf32>
    %add3A_105 = arith.addf %dot_general3A_100, %add3A_104 : vector<512x128xf32>
    %max3A_106 = arith.constant 0.000000e+00 : f32
    %max3A_107 = vector.broadcast %max3A_106 : f32 to vector<512x128xf32>
    %max3A_108 = arith.maximumf %add3A_105, %max3A_107 : vector<512x128xf32>
    %get3A_109 = arith.constant 0 : index
    %get3A_110 = arith.constant 0 : index
    %get3A_111 = vector.load %arg21[%get3A_109, %get3A_110] : memref<1x128xf32, #tpu.memory_space<vmem>>, vector<1x128xf32>
    %mul3A = vector.broadcast %get3A_111 : vector<1x128xf32> to vector<512x128xf32>
    %mul3A_112 = arith.mulf %max3A_108, %mul3A : vector<512x128xf32>
    %reduce_sum3A = arith.constant dense<0.000000e+00> : vector<512xf32>
    %reduce_sum3A_113 = vector.multi_reduction <add>, %mul3A_112, %reduce_sum3A [1] : vector<512x128xf32> to vector<512xf32>
    %broadcast_in_dim3A = vector.shape_cast %reduce_sum3A_113 : vector<512xf32> to vector<512x1xf32>
    %get3A_114 = arith.constant 0 : index
    %get3A_115 = arith.constant 0 : index
    %get3A_116 = vector.load %arg22[%get3A_114, %get3A_115] : memref<1x1xf32, #tpu.memory_space<vmem>>, vector<1x1xf32>
    %add3A_117 = vector.broadcast %get3A_116 : vector<1x1xf32> to vector<512x1xf32>
    %add3A_118 = arith.addf %broadcast_in_dim3A, %add3A_117 : vector<512x1xf32>
    %logistic3A = arith.negf %add3A_118 : vector<512x1xf32>
    %logistic3A_119 = math.exp %logistic3A : vector<512x1xf32>
    %logistic3A_120 = arith.constant 1.000000e+00 : f32
    %logistic3A_121 = vector.broadcast %logistic3A_120 : f32 to vector<512x1xf32>
    %logistic3A_122 = arith.addf %logistic3A_121, %logistic3A_119 : vector<512x1xf32>
    %logistic3A_123 = arith.divf %logistic3A_121, %logistic3A_122 : vector<512x1xf32>
    %swap3A = arith.constant 0 : index
    %swap3A_124 = arith.constant 0 : index
    %swap3A_125 = vector.load %arg24[%swap3A, %swap3A_124] : memref<512x1xf32, #tpu.memory_space<vmem>>, vector<512x1xf32>
    tpu.vector_store %arg24[%swap3A, %swap3A_124], %logistic3A_123 {strides = array<i32>} : memref<512x1xf32, #tpu.memory_space<vmem>>, vector<512x1xf32>,
    %mul3A_126 = arith.mulf %add3A_95, %add3A_95 : vector<512x128xf32>
    %reduce_sum3A_127 = arith.constant dense<0.000000e+00> : vector<512xf32>
    %reduce_sum3A_128 = vector.multi_reduction <add>, %mul3A_126, %reduce_sum3A_127 [1] : vector<512x128xf32> to vector<512xf32>
    %broadcast_in_dim3A_129 = vector.shape_cast %reduce_sum3A_128 : vector<512xf32> to vector<512x1xf32>
    %sqrt3A = math.sqrt %broadcast_in_dim3A_129 : vector<512x1xf32>
    %max3A_130 = arith.constant 9.99999996E-13 : f32
    %max3A_131 = vector.broadcast %max3A_130 : f32 to vector<512x1xf32>
    %max3A_132 = arith.maximumf %sqrt3A, %max3A_131 : vector<512x1xf32>
    %div3A = vector.broadcast %max3A_132 : vector<512x1xf32> to vector<512x128xf32>
    %div3A_133 = arith.divf %add3A_95, %div3A : vector<512x128xf32>
    %swap3A_134 = arith.constant 0 : index
    %swap3A_135 = arith.constant 0 : index
    %swap3A_136 = vector.load %arg23[%swap3A_134, %swap3A_135] : memref<512x128xf32, #tpu.memory_space<vmem>>, vector<512x128xf32>
    tpu.vector_store %arg23[%swap3A_134, %swap3A_135], %div3A_133 {strides = array<i32>} : memref<512x128xf32, #tpu.memory_space<vmem>>, vector<512x128xf32>,
    return
  }
  func.func @transform_0(%arg0: i32) -> (i32, i32) {
    %c0_i32 = arith.constant 0 : i32
    %c0_i32_0 = arith.constant 0 : i32
    return %arg0, %c0_i32 : i32, i32
  }
  func.func @transform_1(%arg0: i32) -> (i32, i32) {
    %c0_i32 = arith.constant 0 : i32
    %c0_i32_0 = arith.constant 0 : i32
    return %arg0, %c0_i32 : i32, i32
  }
  func.func @transform_2(%arg0: i32) -> (i32, i32) {
    %c0_i32 = arith.constant 0 : i32
    %c0_i32_0 = arith.constant 0 : i32
    %c0_i32_1 = arith.constant 0 : i32
    return %c0_i32, %c0_i32_0 : i32, i32
  }
  func.func @transform_3(%arg0: i32) -> (i32, i32) {
    %c0_i32 = arith.constant 0 : i32
    %c0_i32_0 = arith.constant 0 : i32
    %c0_i32_1 = arith.constant 0 : i32
    return %c0_i32, %c0_i32_0 : i32, i32
  }
  func.func @transform_4(%arg0: i32) -> (i32, i32) {
    %c0_i32 = arith.constant 0 : i32
    %c0_i32_0 = arith.constant 0 : i32
    %c0_i32_1 = arith.constant 0 : i32
    return %c0_i32, %c0_i32_0 : i32, i32
  }
  func.func @transform_5(%arg0: i32) -> (i32, i32) {
    %c0_i32 = arith.constant 0 : i32
    %c0_i32_0 = arith.constant 0 : i32
    %c0_i32_1 = arith.constant 0 : i32
    return %c0_i32, %c0_i32_0 : i32, i32
  }
  func.func @transform_6(%arg0: i32) -> (i32, i32) {
    %c0_i32 = arith.constant 0 : i32
    %c0_i32_0 = arith.constant 0 : i32
    %c0_i32_1 = arith.constant 0 : i32
    return %c0_i32, %c0_i32_0 : i32, i32
  }
  func.func @transform_7(%arg0: i32) -> (i32, i32) {
    %c0_i32 = arith.constant 0 : i32
    %c0_i32_0 = arith.constant 0 : i32
    %c0_i32_1 = arith.constant 0 : i32
    return %c0_i32, %c0_i32_0 : i32, i32
  }
  func.func @transform_8(%arg0: i32) -> (i32, i32) {
    %c0_i32 = arith.constant 0 : i32
    %c0_i32_0 = arith.constant 0 : i32
    %c0_i32_1 = arith.constant 0 : i32
    return %c0_i32, %c0_i32_0 : i32, i32
  }
  func.func @transform_9(%arg0: i32) -> (i32, i32) {
    %c0_i32 = arith.constant 0 : i32
    %c0_i32_0 = arith.constant 0 : i32
    %c0_i32_1 = arith.constant 0 : i32
    return %c0_i32, %c0_i32_0 : i32, i32
  }
  func.func @transform_10(%arg0: i32) -> (i32, i32) {
    %c0_i32 = arith.constant 0 : i32
    %c0_i32_0 = arith.constant 0 : i32
    %c0_i32_1 = arith.constant 0 : i32
    return %c0_i32, %c0_i32_0 : i32, i32
  }
  func.func @transform_11(%arg0: i32) -> (i32, i32) {
    %c0_i32 = arith.constant 0 : i32
    %c0_i32_0 = arith.constant 0 : i32
    %c0_i32_1 = arith.constant 0 : i32
    return %c0_i32, %c0_i32_0 : i32, i32
  }
  func.func @transform_12(%arg0: i32) -> (i32, i32) {
    %c0_i32 = arith.constant 0 : i32
    %c0_i32_0 = arith.constant 0 : i32
    %c0_i32_1 = arith.constant 0 : i32
    return %c0_i32, %c0_i32_0 : i32, i32
  }
  func.func @transform_13(%arg0: i32) -> (i32, i32) {
    %c0_i32 = arith.constant 0 : i32
    %c0_i32_0 = arith.constant 0 : i32
    %c0_i32_1 = arith.constant 0 : i32
    return %c0_i32, %c0_i32_0 : i32, i32
  }
  func.func @transform_14(%arg0: i32) -> (i32, i32) {
    %c0_i32 = arith.constant 0 : i32
    %c0_i32_0 = arith.constant 0 : i32
    %c0_i32_1 = arith.constant 0 : i32
    return %c0_i32, %c0_i32_0 : i32, i32
  }
  func.func @transform_15(%arg0: i32) -> (i32, i32) {
    %c0_i32 = arith.constant 0 : i32
    %c0_i32_0 = arith.constant 0 : i32
    %c0_i32_1 = arith.constant 0 : i32
    return %c0_i32, %c0_i32_0 : i32, i32
  }
  func.func @transform_16(%arg0: i32) -> (i32, i32) {
    %c0_i32 = arith.constant 0 : i32
    %c0_i32_0 = arith.constant 0 : i32
    %c0_i32_1 = arith.constant 0 : i32
    return %c0_i32, %c0_i32_0 : i32, i32
  }
  func.func @transform_17(%arg0: i32) -> (i32, i32) {
    %c0_i32 = arith.constant 0 : i32
    %c0_i32_0 = arith.constant 0 : i32
    %c0_i32_1 = arith.constant 0 : i32
    return %c0_i32, %c0_i32_0 : i32, i32
  }
  func.func @transform_18(%arg0: i32) -> (i32, i32) {
    %c0_i32 = arith.constant 0 : i32
    %c0_i32_0 = arith.constant 0 : i32
    %c0_i32_1 = arith.constant 0 : i32
    return %c0_i32, %c0_i32_0 : i32, i32
  }
  func.func @transform_19(%arg0: i32) -> (i32, i32) {
    %c0_i32 = arith.constant 0 : i32
    %c0_i32_0 = arith.constant 0 : i32
    %c0_i32_1 = arith.constant 0 : i32
    return %c0_i32, %c0_i32_0 : i32, i32
  }
  func.func @transform_20(%arg0: i32) -> (i32, i32) {
    %c0_i32 = arith.constant 0 : i32
    %c0_i32_0 = arith.constant 0 : i32
    %c0_i32_1 = arith.constant 0 : i32
    return %c0_i32, %c0_i32_0 : i32, i32
  }
  func.func @transform_21(%arg0: i32) -> (i32, i32) {
    %c0_i32 = arith.constant 0 : i32
    %c0_i32_0 = arith.constant 0 : i32
    %c0_i32_1 = arith.constant 0 : i32
    return %c0_i32, %c0_i32_0 : i32, i32
  }
  func.func @transform_22(%arg0: i32) -> (i32, i32) {
    %c0_i32 = arith.constant 0 : i32
    %c0_i32_0 = arith.constant 0 : i32
    return %arg0, %c0_i32 : i32, i32
  }
  func.func @transform_23(%arg0: i32) -> (i32, i32) {
    %c0_i32 = arith.constant 0 : i32
    %c0_i32_0 = arith.constant 0 : i32
    return %arg0, %c0_i32 : i32, i32
  }
}

</mosaic_0001>

<sc_bundles>
// kernel: kernel.4.cloned.1.call-start
scs
__scs_entry_jumppad:
0x0: {  	(pc) =	sbr.rel $0x88, $3  }
0x1: {  	(tag) =	ssettag $0x0;
	lr =	simm.s32 $0x1  }
0x2: {  	[smem:$0x3F77] =	sst lr;
	_ =	strace $0xD0000000  }
0x3: {  	_ = 	snop  }
0x4: {  	_ = 	snop  }
0x5: {  	_ = 	snop  }
0x6: {  	_ = 	snop  }
0x7: {  	_ = 	snop  }
__scs_overlays_trampoline_lowered:
0x8: {  	[smem:$0x3F86] =	sst s0  }
0x9: {  	[smem:$0x3F87] =	sst s1  }
0xa: {  	[smem:$0x3F88] =	sst s2  }
0xb: {  	[smem:$0x3F89] =	sst s3  }
0xc: {  	[smem:$0x3F8A] =	sst s4  }
0xd: {  	[smem:$0x3F8B] =	sst s5  }
0xe: {  	[smem:$0x3F8C] =	sst s6  }
0xf: {  	[smem:$0x3F8D] =	sst s7  }
0x10: {  	[smem:$0x3F8E] =	sst s8  }
0x11: {  	[smem:$0x3F8F] =	sst s9;
	s0 =	simm.s32 @!p0 $0x0  }
0x12: {  	s1 =	sld [smem:$0x3F75];
	s0 =	simm.s32 @p0 $0x1  }
0x13: {  	[smem:$0x3F90] =	sst s0;
	s0 =	simm.s32 @!p1 $0x0  }
0x14: {  	s2 =	sld [smem:$0x3F74];
	s0 =	simm.s32 @p1 $0x1  }
0x15: {  	[smem:$0x3F91] =	sst s0;
	s0 =	simm.s32 @!p2 $0x0  }
0x16: {  	s3 =	sld [smem:$0x3FDB];
	s0 =	simm.s32 @p2 $0x1  }
0x17: {  	s4 =	simm.s32 $0x1BF5;
	[smem:$0x3F93] =	sst s0  }
0x18: {  	s0 =	sld [smem:$0x3F76];
	_ =	swait.ge [sflag:s4], $0x0  }
0x19: {  	s7 =	sld [smem:$0x3F77]  }
0x1a: {  	s8 =	sadd.s32 $0xFFFFE003, lr  }
0x1b: {  	s9 =	sadd.s32 $0xFFFFFEF7, lr;
	s5 =	simm.s32 $0xFFFFFFFF;
	p2 =	slt.u32 s8, $0xFFFFF086  }
0x1c: {  	p1 =	slt.u32 s9, $0xF7A;
	s5 =	simm.s32 @!p2 $0x0  }
0x1d: {  	s5 =	simm.s32 @p1 $0x1;
	p0 =	seq.s32 s7, s2  }
0x1e: {  	s7 =	smul.u32 @!p0 $0xF7A, s2;
	p2 =	seq.s32 @!p0 s5, $0x0  }
0x1f: {  	s9 =	smul.u32 $0xF7A, s1;
	s8 =	simm.s32 @!p0 $0x1BF5;
	p2 =	por !p2, p0  }
0x20: {  	[sflag:s8] =	ssyncset.s32 @!p0 $0xFFFFF086;
	s6 =	sadd.s32 @!p0 s3, s7;
	s7 =	simm.s32 @!p0 $0x108  }
0x21: {  	s3 =	sadd.s32 s3, s9;
	s6 =	sadd.s32 @!p0 $0x88, s6;
	s7 =	simm.s32 @p2 $0x1082  }
0x22: {  	[simem:s7], [sflag:s8] =	dma.local @!p0 [hbm:s6], $0xF7A  }
0x23: {  	s9 =	sor.u32 $0xD0000000, s2;
	s6 =	simm.s32 $0x108;
	_ =	swait.ge @!p0 [sflag:s8], $0x0  }
0x24: {  	s3 =	sadd.s32 $0x88, s3;
	s6 =	simm.s32 @!p1 $0x1082;
	[sflag:s4] =	ssyncset.s32 $0xFFFFF086  }
0x25: {  	[simem:s6], [sflag:s4] =	dma.local [hbm:s3], $0xF7A  }
0x26: {  	[smem:$0x3F77] =	sst s1;
	(tag) =	ssettag s2;
	_ =	strace s9  }
0x27: {  	s1 =	sld [smem:$0x3F87]  }
0x28: {  	s2 =	sld [smem:$0x3F88]  }
0x29: {  	s4 =	sld [smem:$0x3F8A]  }
0x2a: {  	p0 =	seq.s32 s5, $0x0;
	s5 =	sld [smem:$0x3F8B]  }
0x2b: {  	s6 =	sld [smem:$0x3F8C]  }
0x2c: {  	s7 =	sld [smem:$0x3F8D]  }
0x2d: {  	s3 =	simm.s32 $0x108;
	s8 =	sld [smem:$0x3F8E]  }
0x2e: {  	s3 =	simm.s32 @!p0 $0x1082;
	s9 =	sld [smem:$0x3F8F]  }
0x2f: {  	lr =	sadd.s32 s0, s3;
	s0 =	sld [smem:$0x3F86]  }
0x30: {  	s3 =	sld [smem:$0x3F89]  }
0x31: {  	[smem:$0x3F92] =	sst s10  }
0x32: {  	s10 =	sld [smem:$0x3F90];
	_ =	sdelay $0x3  }
0x33: {  	p0 =	seq.s32 s10, $0x1;
	s10 =	sld [smem:$0x3F92];
	_ =	sdelay $0x3  }
0x34: {  	[smem:$0x3F92] =	sst s10  }
0x35: {  	s10 =	sld [smem:$0x3F91];
	_ =	sdelay $0x3  }
0x36: {  	p1 =	seq.s32 s10, $0x1;
	s10 =	sld [smem:$0x3F92];
	_ =	sdelay $0x3  }
0x37: {  	[smem:$0x3F92] =	sst s10  }
0x38: {  	s10 =	sld [smem:$0x3F93]  }
0x39: {  	_ = 	snop;
	(pc) =	sbr.ind lr, $3  }
0x3a: {  	_ = 	snop  }
0x3b: {  	_ = 	snop  }
0x3c: {  	p2 =	seq.s32 s10, $0x1;
	s10 =	sld [smem:$0x3F92]  }
0x3d: {  	_ =	shalt  }
0x3e: {  	_ =	shalt  }
0x3f: {  	_ =	shalt  }
0x40: {  	_ =	shalt  }
0x41: {  	_ =	shalt  }
0x42: {  	_ =	shalt  }
0x43: {  	_ =	shalt  }
0x44: {  	_ =	shalt  }
0x45: {  	_ =	shalt  }
0x46: {  	_ =	shalt  }
0x47: {  	_ =	shalt  }
0x48: {  	_ =	shalt  }
0x49: {  	_ =	shalt  }
0x4a: {  	_ =	shalt  }
0x4b: {  	_ =	shalt  }
0x4c: {  	_ =	shalt  }
0x4d: {  	_ =	shalt  }
0x4e: {  	_ =	shalt  }
0x4f: {  	_ =	shalt  }
0x50: {  	_ =	shalt  }
0x51: {  	_ =	shalt  }
0x52: {  	_ =	shalt  }
0x53: {  	_ =	shalt  }
0x54: {  	_ =	shalt  }
0x55: {  	_ =	shalt  }
0x56: {  	_ =	shalt  }
0x57: {  	_ =	shalt  }
0x58: {  	_ =	shalt  }
0x59: {  	_ =	shalt  }
0x5a: {  	_ =	shalt  }
0x5b: {  	_ =	shalt  }
0x5c: {  	_ =	shalt  }
0x5d: {  	_ =	shalt  }
0x5e: {  	_ =	shalt  }
0x5f: {  	_ =	shalt  }
0x60: {  	_ =	shalt  }
0x61: {  	_ =	shalt  }
0x62: {  	_ =	shalt  }
0x63: {  	_ =	shalt  }
0x64: {  	_ =	shalt  }
0x65: {  	_ =	shalt  }
0x66: {  	_ =	shalt  }
0x67: {  	_ =	shalt  }
0x68: {  	_ =	shalt  }
0x69: {  	_ =	shalt  }
0x6a: {  	_ =	shalt  }
0x6b: {  	_ =	shalt  }
0x6c: {  	_ =	shalt  }
0x6d: {  	_ =	shalt  }
0x6e: {  	_ =	shalt  }
0x6f: {  	_ =	shalt  }
0x70: {  	_ =	shalt  }
0x71: {  	_ =	shalt  }
0x72: {  	_ =	shalt  }
0x73: {  	_ =	shalt  }
0x74: {  	_ =	shalt  }
0x75: {  	_ =	shalt  }
0x76: {  	_ =	shalt  }
0x77: {  	_ =	shalt  }
0x78: {  	_ =	shalt  }
0x79: {  	_ =	shalt  }
0x7a: {  	_ =	shalt  }
0x7b: {  	_ =	shalt  }
0x7c: {  	_ =	shalt  }
0x7d: {  	_ =	shalt  }
0x7e: {  	_ =	shalt  }
0x7f: {  	_ =	shalt  }
0x80: {  	_ =	shalt  }
0x81: {  	_ =	shalt  }
0x82: {  	_ =	shalt  }
0x83: {  	_ =	shalt  }
0x84: {  	_ =	shalt  }
0x85: {  	_ =	shalt  }
0x86: {  	_ =	shalt  }
0x87: {  	_ =	shalt  }
.Lfunc_end0:
.L_simem_size_0:
called_computation_lowered:
.L_overlay_start_0:
0x88: {  	s2 =	sld [smem:$0x3FD9]  }
0x89: {  	s3 =	sld [smem:$0x3FFE];
	_ =	sdelay $0x1  }
0x8a: {  	s1 =	srdreg.scid  }
0x8b: {  	s0 =	sand.u32 $0x1, s1  }
0x8c: {  	s14 =	sshll.u32 s0, $0xA;
	s2 =	sadd.s32 s3, s2  }
0x8d: {  	s2 =	sadd.s32 s2, s14  }
0x8e: {  	[smem:$0x3F9E] =	sst s2  }
0x8f: {  	_ = 	snop  }
0x90: {  	s2 =	sld [smem:$0x3FD0];
	_ =	sdelay $0x2  }
0x91: {  	s4 =	simm.s32 $0xA;
	s5 =	simm.s32 $0x10;
	s15 =	sld [smem:$0x3FC7]  }
0x92: {  	[smem:s5], [sflag:s4] =	dma.local [hbm:s2], $0x1  }
0x93: {  	_ =	swait.eq [sflag:s4], $0x1  }
0x94: {  	[sflag:s4] =	ssyncset.done $0x0  }
0x95: {  	[sflag:s4] =	ssyncadd.s32 $0xFFFFFFFF  }
0x96: {  	s16 =	sld [smem:$0x12];
	(tm) =	ssettm $0x1  }
0x97: {  	s17 =	sld [smem:$0x3FFB];
	_ =	sdelay $0x3  }
0x98: {  	_ =	strace s17  }
0x99: {  	s4 =	sld [smem:$0x3FFC];
	_ =	sdelay $0x3  }
0x9a: {  	_ =	strace s4  }
0x9b: {  	s4 =	sld [smem:$0x3FFD];
	_ =	sdelay $0x3  }
0x9c: {  	_ =	strace s4  }
0x9d: {  	_ =	strace $0x8FFFFFFF  }
0x9e: {  	s18 =	sld [smem:$0x3FDB];
	_ =	sdelay $0x1  }
0x9f: {  	s19 =	simm.s32 $_scs_section_size  }
0xa0: {  	s6 =	simm.s32 $_size__tile_overlayer_lowered;
	s7 =	simm.s32 $_tile_overlayer_lowered  }
0xa1: {  	s22 =	simm.s32 $0x1BFF;
	s21 =	sshll.u32 s7, $0x1;
	s4 =	sadd.s32 s19, s18  }
0xa2: {  	s8 =	simm.s32 $0x0;
	s20 =	sshll.u32 s6, $0x1;
	s6 =	sadd.s32 s21, s4  }
0xa3: {  	[timem:s8], [sflag:s22] =	dma.local [hbm:s6], s20  }
0xa4: {  	_ =	swait.ge [sflag:s22], s20  }
0xa5: {  	s5 =	ssub.s32 $0x0, s20;
	[sflag:s22] =	ssyncset.done $0x0  }
0xa6: {  	[sflag:s22] =	ssyncadd.s32 s5;
	_ =	sdelay $0x1  }
0xa7: {  	s23 =	simm.s32 $0x1B8B  }
0xa8: {  	_ =	swait.ge [sflag:s23], $0x1  }
0xa9: {  	[sflag:s23] =	ssyncset.done $0x0  }
0xaa: {  	s25 =	simm.s32 $0x1B8E;
	s24 =	sld [smem:$0x3FFE];
	[sflag:s23] =	ssyncadd.s32 $0xFFFFFFFF  }
0xab: {  	s26 =	simm.s32 $execute0_lowered;
	[smem:$0x3FD2] =	sst s25  }
0xac: {  	s6 =	sshll.u32 s26, $0x1;
	_ =	strace $0x80000046;
	[dreg:$0x1] =	wrdreg $0xFFFFFFFF  }
0xad: {  	s28 =	simm.s32 $_size_execute0_lowered;
	s4 =	sadd.s32 s4, s6;
	[dreg:$0x0] =	wrdreg $0x0  }
0xae: {  	s6 =	sshll.u32 s28, $0x1;
	[dreg:$0x2] =	wrdreg s4  }
0xaf: {  	[dreg:$0x3] =	wrdreg s6  }
0xb0: {  	[dreg:$0x4] =	wrdreg $0xC0  }
0xb1: {  	_ =	task [dreg:s8], $0x5FFFF  }
0xb2: {  	[dreg:$0x1] =	wrdreg $0xFFFFFFFF  }
0xb3: {  	[dreg:$0x0] =	wrdreg $0x60  }
0xb4: {  	[dreg:$0x2] =	wrdreg s15  }
0xb5: {  	[dreg:$0x3] =	wrdreg s16  }
0xb6: {  	[dreg:$0x4] =	wrdreg s24  }
0xb7: {  	[dreg:$0x5] =	wrdreg $0x9  }
0xb8: {  	_ =	task.clear_ibuf [dreg:s8], $0x6FFFF;
	_ =	strace $0x90000046  }
0xb9: {  	s29 =	simm.s32 $0x9;
	_ =	strace $0x80000048  }
0xba: {  	_ =	swait.ge [sflag:s29], $0x1  }
0xbb: {  	[sflag:s29] =	ssyncadd.s32 $0xFFFFFFFF  }
0xbc: {  	_ =	strace $0x90000048  }
0xbd: {  	_ =	sfence  }
0xbe: {  	s30 =	sld [smem:$0x0];
	_ =	sdelay $0x2  }
0xbf: {  	s31 =	sshll.u32 s1, $0xD;
	s1 =	sshrl.u32 s1, $0x2  }
0xc0: {  	s3 =	sand.u32 $0x4000, s31;
	s1 =	sadd.s32 s1, s30  }
0xc1: {  	s0 =	sor.u32 s3, s0;
	s1 =	sshll.u32 s1, $0x11  }
0xc2: {  	s0 =	sor.u32 s1, s0  }
0xc3: {  	s0 =	sadd.s32 $0x8F2B, s0  }
0xc4: {  	[sflag:s0] =	ssyncadd.remote.s32 $0x1  }
0xc5: {  	_ =	sfence.sel $0xFFFF  }
0xc6: {  	[dreg:$0x0] =	wrdreg $0xFFFFFFFF;
	(pc) =	sbr.abs _section_cstart, $3  }
0xc7: {  	[dreg:$0x1] =	wrdreg $0xFFFFFFFF  }
0xc8: {  	_ =	task.clear_ibuf [dreg:s8], $0x2FFFF;
	_ =	strace $0x9FFFFFFF  }
0xc9: {  	(tm) =	ssettm $0x7FFFFFFF  }
tec
execute0_lowered:
.L_overlay_start_1:
0x0: {  	(tag) =	ssettag $0x1  }
0x1: {  	s1 =	rddreg [dreg:$0x0]  }
0x2: {  	s2 =	srdreg.scid;
	s4 =	rddreg [dreg:$0x1]  }
0x3: {  	s0 =	stileid.u32;
	s6 =	rddreg [dreg:$0x2]  }
0x4: {  	s3 =	simm.s32 $0x0;
	s12 =	simm.s32 $0x1;
	s13 =	simm.s32 $0x2  }
0x5: {  	s14 =	simm.s32 $0xA800;
	s15 =	simm.s32 $0x2780;
	s16 =	simm.s32 $0x0  }
0x6: {  	s5 =	sand.u32 $0x1, s2;
	s29 =	sshll.u32 s0, $0x1;
	s11 =	smul.u32 $0x7800, s0  }
0x7: {  	s2 =	rddreg [dreg:$0x3];
	s7 =	sor.u32 s5, s29;
	s30 =	smul.u32 $0x3C00, s5  }
0x8: {  	[smem:$0x7FF] =	sst s3;
	s6 =	sadd.s32 $0x5C00, s6;
	s8 =	smul.u32 $0x500, s7  }
0x9: {  	s9 =	ssub.s32 $0x2, s5;
	_ =	strace $0x80000047;
	s7 =	smul.u32 $0x3C00, s7  }
0xa: {  	s10 =	sshrl.u32 s9, $0x1;
	s31 =	sadd.s32 s11, s6;
	s11 =	simm.s32 $0x6800  }
0xb: {  	s9 =	ssub.s32 s9, s10;
	s10 =	simm.s32 $0x2800;
	s4 =	sadd.s32 s4, s8  }
0xc: {  	s7 =	sadd.s32 s6, s7;
	s5 =	smax.u32 s9, $0x1;
	s8 =	simm.s32 $0x3  }
0xd: {  	s9 =	simm.s32 $0x80;
	s6 =	sadd.s32 $0x3A80, s7;
	s7 =	sadd.s32 s30, s31  }
.LBB2_1:
0xe: {  	[tilespmem:s3], [sflag:$0x3] =	stream.linear.gather [hbm4b:s4+s3], $0x2800, $0x38;
	[tilespmem:$0xB400] =	vst v63  }
0xf: {  	_ =	swait.ge [sflag:s8], $0x2800  }
0x10: {  	[sflag:s8] =	ssyncset.done $0x0  }
0x11: {  	[sflag:s8] =	ssyncadd.s32 $0xFFFFD800  }
0x12: {  	[tilespmem:s10], [sflag:$0x1] =	stream.indirect.gather [hbm4b:s1+s9], $0x80, s3, s9, $0xb8;
	[tilespmem:$0xB400] =	vst v63  }
0x13: {  	s17 =	simm.s32 $0x80  }
0x14: {  	[tilespmem:s11], [sflag:$0x2] =	stream.indirect.gather [hbm4b:s1+s9], $0x80, s17, s9, $0xb8;
	[tilespmem:$0xB400] =	vst v63  }
0x15: {  	_ =	swait.ge [sflag:s12], $0x4000  }
0x16: {  	[sflag:s12] =	ssyncset.done $0x0  }
0x17: {  	s30 =	simm.s32 $0x100;
	[sflag:s12] =	ssyncadd.s32 $0xFFFFC000  }
0x18: {  	[tilespmem:s10], [sflag:$0x1] =	stream.indirect.gather [hbm4b:s1+s9], $0x80, s30, s9, $0xb8;
	[tilespmem:$0xB400] =	vst v63  }
0x19: {  	_ =	swait.ge [sflag:s13], $0x4000  }
0x1a: {  	[sflag:s13] =	ssyncset.done $0x0  }
0x1b: {  	s31 =	sadd.s32 $0x0, s7;
	[sflag:s13] =	ssyncadd.s32 $0xFFFFC000  }
0x1c: {  	[hbm4b:s31+s3] =	stream.linear.scatter [tilespmem:s14], [sflag:$0x3], $0xC00, $0x38;
	[tilespmem:$0xB400] =	vst v63  }
0x1d: {  	s19 =	simm.s32 $0x300;
	_ =	swait.ge [sflag:s8], $0xC00  }
0x1e: {  	s18 =	simm.s32 $0x200;
	s17 =	simm.s32 $0x180;
	[sflag:s8] =	ssyncset.done $0x0  }
.LBB2_2:
0x1f: {  	p0 =	sne.s32 s19, $0x3900;
	s20 =	sadd.s32 $0xFFFFFF80, s18;
	[sflag:s8] =	ssyncadd.s32 $0xFFFFF400  }
0x20: {  	[tilespmem:s11], [sflag:$0x2] =	stream.indirect.gather [hbm4b:s1+s9], $0x80, s20, s9, $0xb8;
	[tilespmem:$0xB400] =	vst v63  }
0x21: {  	s20 =	smov.u32 s19;
	s19 =	sadd.s32 $0x180, s19;
	_ =	swait.ge [sflag:s12], $0x4000  }
0x22: {  	[sflag:s12] =	ssyncset.done $0x0  }
0x23: {  	[sflag:s12] =	ssyncadd.s32 $0xFFFFC000  }
0x24: {  	[tilespmem:s10], [sflag:$0x1] =	stream.indirect.gather [hbm4b:s1+s9], $0x80, s18, s9, $0xb8;
	[tilespmem:$0xB400] =	vst v63  }
0x25: {  	_ =	swait.ge [sflag:s13], $0x4000  }
.Ltmp0:
0x26: {  	[sflag:s13] =	ssyncset.done $0x0;
	(pc) =	sbr.rel @p0 .LBB2_2-.Ltmp0, $4  }
0x27: {  	s21 =	sadd.s32 s17, s7;
	s17 =	smov.u32 s20;
	[sflag:s13] =	ssyncadd.s32 $0xFFFFC000  }
0x28: {  	[hbm4b:s21+s3] =	stream.linear.scatter [tilespmem:s14], [sflag:$0x3], $0xC00, $0x38;
	[tilespmem:$0xB400] =	vst v63  }
0x29: {  	_ =	swait.ge [sflag:s8], $0xC00  }
0x2a: {  	s18 =	sadd.s32 $0x100, s18;
	[sflag:s8] =	ssyncset.done $0x0  }
0x2b: {  	s19 =	sadd.s32 $0xFFFFFF80, s18;
	[sflag:s8] =	ssyncadd.s32 $0xFFFFF400  }
0x2c: {  	[tilespmem:s11], [sflag:$0x2] =	stream.indirect.gather [hbm4b:s1+s9], $0x80, s19, s9, $0xb8;
	[tilespmem:$0xB400] =	vst v63  }
0x2d: {  	_ =	swait.ge [sflag:s12], $0x4000  }
0x2e: {  	[sflag:s12] =	ssyncset.done $0x0  }
0x2f: {  	[sflag:s12] =	ssyncadd.s32 $0xFFFFC000  }
0x30: {  	[tilespmem:s10], [sflag:$0x1] =	stream.indirect.gather [hbm4b:s1+s9], $0x80, s18, s9, $0xb8;
	[tilespmem:$0xB400] =	vst v63  }
0x31: {  	_ =	swait.ge [sflag:s13], $0x4000  }
0x32: {  	[sflag:s13] =	ssyncset.done $0x0  }
0x33: {  	s17 =	sadd.s32 s17, s7;
	[sflag:s13] =	ssyncadd.s32 $0xFFFFC000  }
0x34: {  	[hbm4b:s17+s3] =	stream.linear.scatter [tilespmem:s14], [sflag:$0x3], $0xC00, $0x38;
	[tilespmem:$0xB400] =	vst v63  }
0x35: {  	_ =	swait.ge [sflag:s8], $0xC00  }
0x36: {  	[sflag:s8] =	ssyncset.done $0x0  }
0x37: {  	[sflag:s8] =	ssyncadd.s32 $0xFFFFF400  }
0x38: {  	[tilespmem:s11], [sflag:$0x2] =	stream.indirect.gather [hbm4b:s1+s9], $0x80, s15, s9, $0xb8;
	[tilespmem:$0xB400] =	vst v63  }
0x39: {  	_ =	swait.ge [sflag:s12], $0x4000  }
0x3a: {  	[sflag:s12] =	ssyncset.done $0x0  }
0x3b: {  	[sflag:s12] =	ssyncadd.s32 $0xFFFFC000  }
0x3c: {  	s16 =	sadd.s32 $0x1, s16;
	_ =	swait.ge [sflag:s13], $0x4000  }
0x3d: {  	p0 =	sne.s32 s16, s5;
	[sflag:s13] =	ssyncset.done $0x0  }
.Ltmp1:
0x3e: {  	[sflag:s13] =	ssyncadd.s32 $0xFFFFC000;
	(pc) =	sbr.rel @p0 .LBB2_1-.Ltmp1, $4  }
0x3f: {  	[hbm4b:s6+s3] =	stream.linear.scatter [tilespmem:s14], [sflag:$0x3], $0xC00, $0x38;
	[tilespmem:$0xB400] =	vst v63  }
0x40: {  	_ =	swait.ge [sflag:s8], $0xC00  }
0x41: {  	[sflag:s8] =	ssyncset.done $0x0  }
0x42: {  	[sflag:s8] =	ssyncadd.s32 $0xFFFFF400  }
0x43: {  	_ =	sfence.sel $0x180000  }
0x44: {  	[bflag:$0x0] =	sbarrier.arrive $0xFFFF  }
0x45: {  	p0 =	sne.s32 s0, $0x0;
	_ =	strace $0x90000047  }
0x46: {  	s0 =	sadd.s32 @!p0 $0x100000, s2;
	[bflag:$0x2] =	sbarrier.arrive $0xFFFF  }
0x47: {  	[sflag:s0] =	ssyncadd.tile.s32 @!p0 $0x1;
	_ =	shalt  }
.Lfunc_end2:
_tile_overlayer_lowered:
.L_overlay_start_2:
0x48: {  	(tag) =	ssettag $0x2  }
0x49: {  	s0 =	rddreg [dreg:$0x0];
	s2 =	stileid.u32  }
0x4a: {  	s1 =	rddreg [dreg:$0x1];
	p0 =	sne.s32 s2, $0x0  }
0x4b: {  	s3 =	rddreg [dreg:$0x2];
	[bflag:$0x3] =	sbarrier.arrive $0xFFFF;
	s2 =	simm.s32 @!p0 $0x1C03  }
0x4c: {  	[timem:s3], [sflag:s2] =	dma.local @!p0 [hbm:s0], s1  }
0x4d: {  	s0 =	simm.s32 @!p0 $0x3  }
0x4e: {  	_ =	swait.ge @!p0 [sflag:s0], s1  }
0x4f: {  	s1 =	ssub.s32 @!p0 $0x0, s1;
	[sflag:s0] =	ssyncset.done @!p0 $0x0  }
0x50: {  	[sflag:s0] =	ssyncadd.s32 @!p0 s1  }
0x51: {  	[bflag:$0x3] =	sbarrier.arrive $0xFFFF  }
0x52: {  	_ =	shalt  }

</sc_bundles>
